<compile_context>
chip_gen: v7x
topology: tpu7x:2x2x1
jax: 0.10.2.dev20260603
libtpu: 0.0.44.dev20260713+nightly
codegen_flags: <defaults>
</compile_context>

<pallas_src>
import functools

import jax
import jax.numpy as jnp
from jax import lax
from jax.experimental import pallas as pl
from jax.experimental.pallas import tpu as pltpu
from jax.experimental.pallas import tpu_sc as plsc

B = 16384
EMB = 32
EPS = 1e-5

NC = 2
NS = 16
NW = NC * NS
BPW = B // NW
GROUP = 64
NG = BPW // GROUP

TB = 2048



def _sc_gather_body(uidx, iidx, uemb, iemb, uout, iout,
                    idx_v, rows_v, sem):
    wid = lax.axis_index("s") * NC + lax.axis_index("c")
    base = wid * BPW

    def gather_one(table, out):
        @pl.loop(0, NG)
        def _grp(g):
            row0 = g * GROUP

            @pl.loop(0, GROUP)
            def _row(j):
                k = row0 + j
                i = idx_v[pl.ds(k, 1)][0]
                pltpu.async_copy(table.at[pl.ds(i, 1)],
                                 rows_v.at[pl.ds(k, 1)], sem)

            @pl.when(g > 0)
            def _():
                pltpu.make_async_copy(
                    table.at[pl.ds(0, GROUP)],
                    rows_v.at[pl.ds((g - 1) * GROUP, GROUP)], sem).wait()

        pltpu.make_async_copy(
            table.at[pl.ds(0, GROUP)],
            rows_v.at[pl.ds((NG - 1) * GROUP, GROUP)], sem).wait()
        pltpu.sync_copy(rows_v, out.at[pl.ds(base, BPW)])

    pltpu.sync_copy(uidx.at[pl.ds(base, BPW)], idx_v)
    gather_one(uemb, uout)
    pltpu.sync_copy(iidx.at[pl.ds(base, BPW)], idx_v)
    gather_one(iemb, iout)


def _sc_gather(uidx, iidx, uemb, iemb):
    f = functools.partial(
        pl.kernel,
        mesh=plsc.VectorSubcoreMesh(core_axis_name="c", subcore_axis_name="s"),
        out_type=[
            jax.ShapeDtypeStruct((B, EMB), jnp.float32),
            jax.ShapeDtypeStruct((B, EMB), jnp.float32),
        ],
        scratch_types=[
            pltpu.VMEM((BPW,), jnp.int32),
            pltpu.VMEM((BPW, EMB), jnp.float32),
            pltpu.SemaphoreType.DMA,
        ],
    )(_sc_gather_body)
    return f(uidx, iidx, uemb, iemb)



def _tc_body(wf, g, y, ue, ie,
             whW, whb, woutw, W1u, W1i, W1g, w1y, b1, W2, b2, wd, cst,
             out):
    dot = functools.partial(jnp.dot, preferred_element_type=jnp.float32)

    wh = jnp.maximum(dot(wf[...], whW[...]) + whb[...], 0.0)
    wide = jnp.sum(wh * woutw[...], axis=1, keepdims=True)

    h1 = (dot(ue[...], W1u[...]) + dot(ie[...], W1i[...])
          + dot(g[...], W1g[...]) + y[...] * w1y[...] + b1[...])
    h1 = jnp.maximum(h1, 0.0)
    h2 = jnp.maximum(dot(h1, W2[...]) + b2[...], 0.0)
    deep = jnp.sum(h2 * wd[...], axis=1, keepdims=True)

    out[...] = wide + deep + cst[...]


def _tc_dense(wf, g, y, ue, ie,
              whW, whb, woutw, W1u, W1i, W1g, w1y, b1, W2, b2, wd, cst):
    grid = (B // TB,)

    def bspec(c):
        return pl.BlockSpec((TB, c), lambda i: (i, 0))

    def wspec(shape):
        return pl.BlockSpec(shape, lambda i: tuple(0 for _ in shape))

    in_specs = [
        bspec(wf.shape[1]), bspec(g.shape[1]), bspec(1),
        bspec(EMB), bspec(EMB),
        wspec(whW.shape), wspec(whb.shape), wspec(woutw.shape),
        wspec(W1u.shape), wspec(W1i.shape), wspec(W1g.shape),
        wspec(w1y.shape), wspec(b1.shape), wspec(W2.shape),
        wspec(b2.shape), wspec(wd.shape), wspec(cst.shape),
    ]
    return pl.pallas_call(
        _tc_body,
        grid=grid,
        in_specs=in_specs,
        out_specs=pl.BlockSpec((TB, 1), lambda i: (i, 0)),
        out_shape=jax.ShapeDtypeStruct((B, 1), jnp.float32),
    )(wf, g, y, ue, ie,
      whW, whb, woutw, W1u, W1i, W1g, w1y, b1, W2, b2, wd, cst)



def kernel(user_idx, item_idx, genre, wide_features, year_normalized,
           user_bias_w, item_bias_w, user_emb_w, item_emb_w,
           wh_W, wh_b, wbn_g, wbn_b, wout_W, wout_b,
           d1_W, d1_b, bn1_g, bn1_b, d2_W, d2_b, bn2_g, bn2_b,
           dout_W, dout_b, global_mean):
    uidx = user_idx.astype(jnp.int32)
    iidx = item_idx.astype(jnp.int32)

    ue, ie = _sc_gather(uidx, iidx, user_emb_w, item_emb_w)

    inv = 1.0 / jnp.sqrt(1.0 + EPS)
    sw = wbn_g * inv
    whW = wh_W.T * sw[None, :]
    whb = (wh_b * sw + wbn_b)[None, :]
    woutw = wout_W * 1.0

    s1 = bn1_g * inv
    W1 = d1_W.T * s1[None, :]
    W1u = W1[:EMB]
    W1i = W1[EMB:2 * EMB]
    W1g = W1[2 * EMB:2 * EMB + genre.shape[1]]
    w1y = W1[2 * EMB + genre.shape[1]:][0][None, :]
    b1 = (d1_b * s1 + bn1_b)[None, :]

    s2 = bn2_g * inv
    W2 = d2_W.T * s2[None, :]
    b2 = (d2_b * s2 + bn2_b)[None, :]
    wd = dout_W * 1.0

    cst = (wout_b + dout_b + global_mean).reshape(1, 1)

    out = _tc_dense(wide_features, genre, year_normalized, ue, ie,
                    whW, whb, woutw, W1u, W1i, W1g, w1y, b1, W2, b2, wd, cst)
    return out[:, 0]

# --- scband reference (transcript-rebuilt; emitter-appended) ---
"""Pipeline reference for scband-wide-deep-model-v17-14130442404390 (READ-ONLY COPY).

The authoritative reference and input builder live on the scoring server;
editing this copy changes nothing except your own understanding.
"""

import jax, jax.numpy as jnp
import numpy as np

B = 16384
N_USERS = 100000
N_ITEMS = 100000
N_GENRES = 20
EMB = 32
WIDE_IN = N_GENRES + 6 + 4 + 4  # 34
WIDE_H = 32
DEEP_IN = EMB * 2 + N_GENRES + 1  # 85
D1, D2 = 256, 128
EPS = 1e-5


def setup_inputs(seed: int = 0) -> dict:
    key = jax.random.key(seed)
    ks = jax.random.split(key, 24)
    inp = {}
    inp['user_idx'] = jax.random.randint(ks[0], (B,), 0, N_USERS)
    inp['item_idx'] = jax.random.randint(ks[1], (B,), 0, N_ITEMS)
    inp['genre'] = jax.random.uniform(ks[2], (B, N_GENRES), dtype=jnp.float32)
    inp['wide_features'] = jax.random.normal(ks[3], (B, WIDE_IN), dtype=jnp.float32)
    inp['year_normalized'] = jax.random.normal(ks[4], (B, 1), dtype=jnp.float32)
    # parameters
    inp['user_bias_w'] = jnp.zeros((N_USERS, 1), jnp.float32)
    inp['item_bias_w'] = jnp.zeros((N_ITEMS, 1), jnp.float32)
    inp['user_emb_w'] = 0.01 * jax.random.normal(ks[5], (N_USERS, EMB), dtype=jnp.float32)
    inp['item_emb_w'] = 0.01 * jax.random.normal(ks[6], (N_ITEMS, EMB), dtype=jnp.float32)
    inp['wh_W'] = jax.random.normal(ks[7], (WIDE_H, WIDE_IN), dtype=jnp.float32) * (1.0 / np.sqrt(WIDE_IN))
    inp['wh_b'] = jnp.zeros((WIDE_H,), jnp.float32)
    inp['wbn_g'] = jnp.ones((WIDE_H,), jnp.float32)
    inp['wbn_b'] = jnp.zeros((WIDE_H,), jnp.float32)
    inp['wout_W'] = jax.random.normal(ks[8], (1, WIDE_H), dtype=jnp.float32) * (1.0 / np.sqrt(WIDE_H))
    inp['wout_b'] = jnp.zeros((1,), jnp.float32)
    inp['d1_W'] = jax.random.normal(ks[9], (D1, DEEP_IN), dtype=jnp.float32) * np.sqrt(2.0 / D1)
    inp['d1_b'] = jnp.zeros((D1,), jnp.float32)
    inp['bn1_g'] = jnp.ones((D1,), jnp.float32)
    inp['bn1_b'] = jnp.zeros((D1,), jnp.float32)
    inp['d2_W'] = jax.random.normal(ks[10], (D2, D1), dtype=jnp.float32) * np.sqrt(2.0 / D2)
    inp['d2_b'] = jnp.zeros((D2,), jnp.float32)
    inp['bn2_g'] = jnp.ones((D2,), jnp.float32)
    inp['bn2_b'] = jnp.zeros((D2,), jnp.float32)
    inp['dout_W'] = jax.random.normal(ks[11], (1, D2), dtype=jnp.float32) * (1.0 / np.sqrt(D2))
    inp['dout_b'] = jnp.zeros((1,), jnp.float32)
    inp['global_mean'] = jnp.array([3.5], jnp.float32)
    return inp


def _bn_eval(x, g, b):
    # eval-mode batchnorm with running_mean=0, running_var=1
    return (x - 0.0) / jnp.sqrt(1.0 + EPS) * g + b


def reference(user_idx, item_idx, genre, wide_features, year_normalized,
              user_bias_w, item_bias_w, user_emb_w, item_emb_w,
              wh_W, wh_b, wbn_g, wbn_b, wout_W, wout_b,
              d1_W, d1_b, bn1_g, bn1_b, d2_W, d2_b, bn2_g, bn2_b,
              dout_W, dout_b, global_mean):
    u_bias = jnp.take(user_bias_w, user_idx, axis=0)[:, 0]
    i_bias = jnp.take(item_bias_w, item_idx, axis=0)[:, 0]
    # eval mode: dropout is identity
    wide_h = jax.nn.relu(_bn_eval(wide_features @ wh_W.T + wh_b, wbn_g, wbn_b))
    wide_out = (wide_h @ wout_W.T + wout_b)[:, 0]
    u_emb = jnp.take(user_emb_w, user_idx, axis=0)
    i_emb = jnp.take(item_emb_w, item_idx, axis=0)
    x = jnp.concatenate([u_emb, i_emb, genre, year_normalized], axis=1)
    x = jax.nn.relu(_bn_eval(x @ d1_W.T + d1_b, bn1_g, bn1_b))
    x = jax.nn.relu(_bn_eval(x @ d2_W.T + d2_b, bn2_g, bn2_b))
    deep_out = (x @ dout_W.T + dout_b)[:, 0]
    return global_mean + u_bias + i_bias + wide_out + deep_out

if __name__ == "__main__":
    import jax
    _d = setup_inputs()
    print(jax.jit(kernel)(*tuple(_d.values())))

</pallas_src>

<mosaic_0001>
#map = affine_map<(d0, d1) -> (0)>
#map1 = affine_map<(d0, d1) -> (0, 0)>
module attributes {stable_mosaic.version = 14 : i64} {
  func.func @_sc_gather_body(%arg0: i32, %arg1: i32, %arg2: memref<16384xi32, #tpu.memory_space<hbm>>, %arg3: memref<16384xi32, #tpu.memory_space<hbm>>, %arg4: memref<100000x32xf32, #tpu.memory_space<hbm>>, %arg5: memref<100000x32xf32, #tpu.memory_space<hbm>>, %arg6: memref<16384x32xf32, #tpu.memory_space<hbm>>, %arg7: memref<16384x32xf32, #tpu.memory_space<hbm>>, %arg8: memref<512xi32, #tpu.memory_space<vmem>>, %arg9: memref<512x32xf32, #tpu.memory_space<vmem>>, %arg10: memref<!tpu.dma_semaphore, #tpu.memory_space<semaphore_mem>>) attributes {dimension_semantics = [#tpu.dimension_semantics<core_parallel>, #tpu.dimension_semantics<subcore_parallel>], iteration_bounds = array<i64: 2, 16>, scalar_prefetch = 0 : i64, scratch_operands = 3 : i64, tpu.core_type = #tpu.core_type<sc_vector_subcore>, window_params = [{transform_indices = #map}, {transform_indices = #map}, {transform_indices = #map1}, {transform_indices = #map1}, {transform_indices = #map1}, {transform_indices = #map1}]} {
    %mul3A = arith.constant 2 : i32
    %mul3A_0 = arith.muli %arg1, %mul3A : i32
    %add3A = arith.addi %mul3A_0, %arg0 : i32
    %mul3A_1 = arith.constant 512 : i32
    %mul3A_2 = arith.muli %add3A, %mul3A_1 : i32
    "tpu.region"() ({
      %run_scoped3A = tpu.sem_alloc : memref<!tpu.dma_semaphore, #tpu.memory_space<semaphore_mem>>
      %dma_start3A = tpu.memref_slice %arg2[%mul3A_2] : memref<16384xi32, #tpu.memory_space<hbm>> -> memref<512xi32, #tpu.memory_space<hbm>>
      %dma_start3A_35 = tpu.memref_slice %arg2[%mul3A_2] : memref<16384xi32, #tpu.memory_space<hbm>> -> memref<512xi32, #tpu.memory_space<hbm>>
      tpu.enqueue_dma source(%dma_start3A_35 : memref<512xi32, #tpu.memory_space<hbm>>) target(%arg8 : memref<512xi32, #tpu.memory_space<vmem>>) target_semaphore(%run_scoped3A : memref<!tpu.dma_semaphore, #tpu.memory_space<semaphore_mem>>)
      %dma_wait3A_36 = tpu.memref_slice %arg2[%mul3A_2] : memref<16384xi32, #tpu.memory_space<hbm>> -> memref<512xi32, #tpu.memory_space<hbm>>
      %dma_wait3A_37 = tpu.memref_slice %arg2[%mul3A_2] : memref<16384xi32, #tpu.memory_space<hbm>> -> memref<512xi32, #tpu.memory_space<hbm>>
      tpu.wait_dma2 semaphore(%run_scoped3A : memref<!tpu.dma_semaphore, #tpu.memory_space<semaphore_mem>>) src(%dma_wait3A_37 : memref<512xi32, #tpu.memory_space<hbm>>) dst(%arg8 : memref<512xi32, #tpu.memory_space<vmem>>)
      tpu.yield
    }) : () -> ()
    %scan3A = arith.constant 0 : i32
    %scan3A_3 = arith.constant 8 : i32
    %scan3A_4 = arith.addi %scan3A, %scan3A_3 : i32
    %scan3A_5 = arith.constant 1 : i32
    scf.for %scan3A_35 = %scan3A to %scan3A_4 step %scan3A_5  : i32 {
      %mul3A_36 = arith.constant 1 : i32
      %mul3A_37 = arith.muli %scan3A_35, %mul3A_36 : i32
      %add3A_38 = arith.constant 0 : i32
      %add3A_39 = arith.addi %add3A_38, %mul3A_37 : i32
      %mul3A_40 = arith.constant 64 : i32
      %mul3A_41 = arith.muli %add3A_39, %mul3A_40 : i32
      %scan3A_42 = arith.constant 0 : i32
      %scan3A_43 = arith.constant 64 : i32
      %scan3A_44 = arith.addi %scan3A_42, %scan3A_43 : i32
      %scan3A_45 = arith.constant 1 : i32
      scf.for %scan3A_49 = %scan3A_42 to %scan3A_44 step %scan3A_45  : i32 {
        %mul3A_50 = arith.constant 1 : i32
        %mul3A_51 = arith.muli %scan3A_49, %mul3A_50 : i32
        %add3A_52 = arith.constant 0 : i32
        %add3A_53 = arith.addi %add3A_52, %mul3A_51 : i32
        %add3A_54 = arith.addi %mul3A_41, %add3A_53 : i32
        %get3A = arith.index_cast %add3A_54 : i32 to index
        %get3A_55 = tpu.vector_load %arg8[%get3A] {strides = array<i32>} : memref<512xi32, #tpu.memory_space<vmem>>, vector<1xi32>,
        %get3A_56 = vector.shape_cast %get3A_55 : vector<1xi32> to vector<1xi32>
        %squeeze3A = vector.extract %get3A_56[0] : i32 from vector<1xi32>
        %dma_start3A = arith.constant 0 : i32
        %dma_start3A_57 = tpu.memref_slice %arg9[%add3A_54, %dma_start3A] : memref<512x32xf32, #tpu.memory_space<vmem>> -> memref<1x32xf32, #tpu.memory_space<vmem>>
        %dma_start3A_58 = arith.constant 0 : i32
        %dma_start3A_59 = tpu.memref_slice %arg4[%squeeze3A, %dma_start3A_58] : memref<100000x32xf32, #tpu.memory_space<hbm>> -> memref<1x32xf32, #tpu.memory_space<hbm>>
        %dma_start3A_60 = arith.constant 0 : i32
        %dma_start3A_61 = tpu.memref_slice %arg9[%add3A_54, %dma_start3A_60] : memref<512x32xf32, #tpu.memory_space<vmem>> -> memref<1x32xf32, #tpu.memory_space<vmem>>
        %dma_start3A_62 = arith.constant 0 : i32
        %dma_start3A_63 = tpu.memref_slice %arg4[%squeeze3A, %dma_start3A_62] : memref<100000x32xf32, #tpu.memory_space<hbm>> -> memref<1x32xf32, #tpu.memory_space<hbm>>
        tpu.enqueue_dma source(%dma_start3A_63 : memref<1x32xf32, #tpu.memory_space<hbm>>) target(%dma_start3A_61 : memref<1x32xf32, #tpu.memory_space<vmem>>) target_semaphore(%arg10 : memref<!tpu.dma_semaphore, #tpu.memory_space<semaphore_mem>>)
      }
      %scan3A_46 = arith.constant 64 : i32
      %gt3A = arith.constant 0 : i32
      %gt3A_47 = arith.cmpi sgt, %add3A_39, %gt3A : i32
      %convert_element_type3A = arith.extui %gt3A_47 : i1 to i32
      %cond3A = arith.constant 0 : i32
      %cond3A_48 = arith.cmpi ne, %convert_element_type3A, %cond3A : i32
      scf.if %cond3A_48 {
        %sub3A = arith.constant 1 : i32
        %sub3A_49 = arith.subi %add3A_39, %sub3A : i32
        %mul3A_50 = arith.constant 64 : i32
        %mul3A_51 = arith.muli %sub3A_49, %mul3A_50 : i32
        %dma_wait3A_52 = arith.constant 0 : i32
        %dma_wait3A_53 = tpu.memref_slice %arg9[%mul3A_51, %dma_wait3A_52] : memref<512x32xf32, #tpu.memory_space<vmem>> -> memref<64x32xf32, #tpu.memory_space<vmem>>
        %dma_wait3A_54 = arith.constant 0 : i32
        %dma_wait3A_55 = arith.constant 0 : i32
        %dma_wait3A_56 = tpu.memref_slice %arg4[%dma_wait3A_54, %dma_wait3A_55] : memref<100000x32xf32, #tpu.memory_space<hbm>> -> memref<64x32xf32, #tpu.memory_space<hbm>>
        %dma_wait3A_57 = arith.constant 0 : i32
        %dma_wait3A_58 = tpu.memref_slice %arg9[%mul3A_51, %dma_wait3A_57] : memref<512x32xf32, #tpu.memory_space<vmem>> -> memref<64x32xf32, #tpu.memory_space<vmem>>
        %dma_wait3A_59 = arith.constant 0 : i32
        %dma_wait3A_60 = arith.constant 0 : i32
        %dma_wait3A_61 = tpu.memref_slice %arg4[%dma_wait3A_59, %dma_wait3A_60] : memref<100000x32xf32, #tpu.memory_space<hbm>> -> memref<64x32xf32, #tpu.memory_space<hbm>>
        tpu.wait_dma2 semaphore(%arg10 : memref<!tpu.dma_semaphore, #tpu.memory_space<semaphore_mem>>) src(%dma_wait3A_61 : memref<64x32xf32, #tpu.memory_space<hbm>>) dst(%dma_wait3A_58 : memref<64x32xf32, #tpu.memory_space<vmem>>)
      } else {
      }
    }
    %scan3A_6 = arith.constant 8 : i32
    %dma_wait3A = arith.constant 448 : i32
    %dma_wait3A_7 = arith.constant 0 : i32
    %dma_wait3A_8 = tpu.memref_slice %arg9[%dma_wait3A, %dma_wait3A_7] : memref<512x32xf32, #tpu.memory_space<vmem>> -> memref<64x32xf32, #tpu.memory_space<vmem>>
    %dma_wait3A_9 = arith.constant 0 : i32
    %dma_wait3A_10 = arith.constant 0 : i32
    %dma_wait3A_11 = tpu.memref_slice %arg4[%dma_wait3A_9, %dma_wait3A_10] : memref<100000x32xf32, #tpu.memory_space<hbm>> -> memref<64x32xf32, #tpu.memory_space<hbm>>
    %dma_wait3A_12 = arith.constant 448 : i32
    %dma_wait3A_13 = arith.constant 0 : i32
    %dma_wait3A_14 = tpu.memref_slice %arg9[%dma_wait3A_12, %dma_wait3A_13] : memref<512x32xf32, #tpu.memory_space<vmem>> -> memref<64x32xf32, #tpu.memory_space<vmem>>
    %dma_wait3A_15 = arith.constant 0 : i32
    %dma_wait3A_16 = arith.constant 0 : i32
    %dma_wait3A_17 = tpu.memref_slice %arg4[%dma_wait3A_15, %dma_wait3A_16] : memref<100000x32xf32, #tpu.memory_space<hbm>> -> memref<64x32xf32, #tpu.memory_space<hbm>>
    tpu.wait_dma2 semaphore(%arg10 : memref<!tpu.dma_semaphore, #tpu.memory_space<semaphore_mem>>) src(%dma_wait3A_17 : memref<64x32xf32, #tpu.memory_space<hbm>>) dst(%dma_wait3A_14 : memref<64x32xf32, #tpu.memory_space<vmem>>)
    "tpu.region"() ({
      %run_scoped3A = tpu.sem_alloc : memref<!tpu.dma_semaphore, #tpu.memory_space<semaphore_mem>>
      %dma_start3A = arith.constant 0 : i32
      %dma_start3A_35 = tpu.memref_slice %arg6[%mul3A_2, %dma_start3A] : memref<16384x32xf32, #tpu.memory_space<hbm>> -> memref<512x32xf32, #tpu.memory_space<hbm>>
      %dma_start3A_36 = arith.constant 0 : i32
      %dma_start3A_37 = tpu.memref_slice %arg6[%mul3A_2, %dma_start3A_36] : memref<16384x32xf32, #tpu.memory_space<hbm>> -> memref<512x32xf32, #tpu.memory_space<hbm>>
      tpu.enqueue_dma source(%arg9 : memref<512x32xf32, #tpu.memory_space<vmem>>) target(%dma_start3A_37 : memref<512x32xf32, #tpu.memory_space<hbm>>) target_semaphore(%run_scoped3A : memref<!tpu.dma_semaphore, #tpu.memory_space<semaphore_mem>>)
      %dma_wait3A_38 = arith.constant 0 : i32
      %dma_wait3A_39 = tpu.memref_slice %arg6[%mul3A_2, %dma_wait3A_38] : memref<16384x32xf32, #tpu.memory_space<hbm>> -> memref<512x32xf32, #tpu.memory_space<hbm>>
      %dma_wait3A_40 = arith.constant 0 : i32
      %dma_wait3A_41 = tpu.memref_slice %arg6[%mul3A_2, %dma_wait3A_40] : memref<16384x32xf32, #tpu.memory_space<hbm>> -> memref<512x32xf32, #tpu.memory_space<hbm>>
      tpu.wait_dma2 semaphore(%run_scoped3A : memref<!tpu.dma_semaphore, #tpu.memory_space<semaphore_mem>>) src(%arg9 : memref<512x32xf32, #tpu.memory_space<vmem>>) dst(%dma_wait3A_41 : memref<512x32xf32, #tpu.memory_space<hbm>>)
      tpu.yield
    }) : () -> ()
    "tpu.region"() ({
      %run_scoped3A = tpu.sem_alloc : memref<!tpu.dma_semaphore, #tpu.memory_space<semaphore_mem>>
      %dma_start3A = tpu.memref_slice %arg3[%mul3A_2] : memref<16384xi32, #tpu.memory_space<hbm>> -> memref<512xi32, #tpu.memory_space<hbm>>
      %dma_start3A_35 = tpu.memref_slice %arg3[%mul3A_2] : memref<16384xi32, #tpu.memory_space<hbm>> -> memref<512xi32, #tpu.memory_space<hbm>>
      tpu.enqueue_dma source(%dma_start3A_35 : memref<512xi32, #tpu.memory_space<hbm>>) target(%arg8 : memref<512xi32, #tpu.memory_space<vmem>>) target_semaphore(%run_scoped3A : memref<!tpu.dma_semaphore, #tpu.memory_space<semaphore_mem>>)
      %dma_wait3A_36 = tpu.memref_slice %arg3[%mul3A_2] : memref<16384xi32, #tpu.memory_space<hbm>> -> memref<512xi32, #tpu.memory_space<hbm>>
      %dma_wait3A_37 = tpu.memref_slice %arg3[%mul3A_2] : memref<16384xi32, #tpu.memory_space<hbm>> -> memref<512xi32, #tpu.memory_space<hbm>>
      tpu.wait_dma2 semaphore(%run_scoped3A : memref<!tpu.dma_semaphore, #tpu.memory_space<semaphore_mem>>) src(%dma_wait3A_37 : memref<512xi32, #tpu.memory_space<hbm>>) dst(%arg8 : memref<512xi32, #tpu.memory_space<vmem>>)
      tpu.yield
    }) : () -> ()
    %scan3A_18 = arith.constant 0 : i32
    %scan3A_19 = arith.constant 8 : i32
    %scan3A_20 = arith.addi %scan3A_18, %scan3A_19 : i32
    %scan3A_21 = arith.constant 1 : i32
    scf.for %scan3A_35 = %scan3A_18 to %scan3A_20 step %scan3A_21  : i32 {
      %mul3A_36 = arith.constant 1 : i32
      %mul3A_37 = arith.muli %scan3A_35, %mul3A_36 : i32
      %add3A_38 = arith.constant 0 : i32
      %add3A_39 = arith.addi %add3A_38, %mul3A_37 : i32
      %mul3A_40 = arith.constant 64 : i32
      %mul3A_41 = arith.muli %add3A_39, %mul3A_40 : i32
      %scan3A_42 = arith.constant 0 : i32
      %scan3A_43 = arith.constant 64 : i32
      %scan3A_44 = arith.addi %scan3A_42, %scan3A_43 : i32
      %scan3A_45 = arith.constant 1 : i32
      scf.for %scan3A_49 = %scan3A_42 to %scan3A_44 step %scan3A_45  : i32 {
        %mul3A_50 = arith.constant 1 : i32
        %mul3A_51 = arith.muli %scan3A_49, %mul3A_50 : i32
        %add3A_52 = arith.constant 0 : i32
        %add3A_53 = arith.addi %add3A_52, %mul3A_51 : i32
        %add3A_54 = arith.addi %mul3A_41, %add3A_53 : i32
        %get3A = arith.index_cast %add3A_54 : i32 to index
        %get3A_55 = tpu.vector_load %arg8[%get3A] {strides = array<i32>} : memref<512xi32, #tpu.memory_space<vmem>>, vector<1xi32>,
        %get3A_56 = vector.shape_cast %get3A_55 : vector<1xi32> to vector<1xi32>
        %squeeze3A = vector.extract %get3A_56[0] : i32 from vector<1xi32>
        %dma_start3A = arith.constant 0 : i32
        %dma_start3A_57 = tpu.memref_slice %arg9[%add3A_54, %dma_start3A] : memref<512x32xf32, #tpu.memory_space<vmem>> -> memref<1x32xf32, #tpu.memory_space<vmem>>
        %dma_start3A_58 = arith.constant 0 : i32
        %dma_start3A_59 = tpu.memref_slice %arg5[%squeeze3A, %dma_start3A_58] : memref<100000x32xf32, #tpu.memory_space<hbm>> -> memref<1x32xf32, #tpu.memory_space<hbm>>
        %dma_start3A_60 = arith.constant 0 : i32
        %dma_start3A_61 = tpu.memref_slice %arg9[%add3A_54, %dma_start3A_60] : memref<512x32xf32, #tpu.memory_space<vmem>> -> memref<1x32xf32, #tpu.memory_space<vmem>>
        %dma_start3A_62 = arith.constant 0 : i32
        %dma_start3A_63 = tpu.memref_slice %arg5[%squeeze3A, %dma_start3A_62] : memref<100000x32xf32, #tpu.memory_space<hbm>> -> memref<1x32xf32, #tpu.memory_space<hbm>>
        tpu.enqueue_dma source(%dma_start3A_63 : memref<1x32xf32, #tpu.memory_space<hbm>>) target(%dma_start3A_61 : memref<1x32xf32, #tpu.memory_space<vmem>>) target_semaphore(%arg10 : memref<!tpu.dma_semaphore, #tpu.memory_space<semaphore_mem>>)
      }
      %scan3A_46 = arith.constant 64 : i32
      %gt3A = arith.constant 0 : i32
      %gt3A_47 = arith.cmpi sgt, %add3A_39, %gt3A : i32
      %convert_element_type3A = arith.extui %gt3A_47 : i1 to i32
      %cond3A = arith.constant 0 : i32
      %cond3A_48 = arith.cmpi ne, %convert_element_type3A, %cond3A : i32
      scf.if %cond3A_48 {
        %sub3A = arith.constant 1 : i32
        %sub3A_49 = arith.subi %add3A_39, %sub3A : i32
        %mul3A_50 = arith.constant 64 : i32
        %mul3A_51 = arith.muli %sub3A_49, %mul3A_50 : i32
        %dma_wait3A_52 = arith.constant 0 : i32
        %dma_wait3A_53 = tpu.memref_slice %arg9[%mul3A_51, %dma_wait3A_52] : memref<512x32xf32, #tpu.memory_space<vmem>> -> memref<64x32xf32, #tpu.memory_space<vmem>>
        %dma_wait3A_54 = arith.constant 0 : i32
        %dma_wait3A_55 = arith.constant 0 : i32
        %dma_wait3A_56 = tpu.memref_slice %arg5[%dma_wait3A_54, %dma_wait3A_55] : memref<100000x32xf32, #tpu.memory_space<hbm>> -> memref<64x32xf32, #tpu.memory_space<hbm>>
        %dma_wait3A_57 = arith.constant 0 : i32
        %dma_wait3A_58 = tpu.memref_slice %arg9[%mul3A_51, %dma_wait3A_57] : memref<512x32xf32, #tpu.memory_space<vmem>> -> memref<64x32xf32, #tpu.memory_space<vmem>>
        %dma_wait3A_59 = arith.constant 0 : i32
        %dma_wait3A_60 = arith.constant 0 : i32
        %dma_wait3A_61 = tpu.memref_slice %arg5[%dma_wait3A_59, %dma_wait3A_60] : memref<100000x32xf32, #tpu.memory_space<hbm>> -> memref<64x32xf32, #tpu.memory_space<hbm>>
        tpu.wait_dma2 semaphore(%arg10 : memref<!tpu.dma_semaphore, #tpu.memory_space<semaphore_mem>>) src(%dma_wait3A_61 : memref<64x32xf32, #tpu.memory_space<hbm>>) dst(%dma_wait3A_58 : memref<64x32xf32, #tpu.memory_space<vmem>>)
      } else {
      }
    }
    %scan3A_22 = arith.constant 8 : i32
    %dma_wait3A_23 = arith.constant 448 : i32
    %dma_wait3A_24 = arith.constant 0 : i32
    %dma_wait3A_25 = tpu.memref_slice %arg9[%dma_wait3A_23, %dma_wait3A_24] : memref<512x32xf32, #tpu.memory_space<vmem>> -> memref<64x32xf32, #tpu.memory_space<vmem>>
    %dma_wait3A_26 = arith.constant 0 : i32
    %dma_wait3A_27 = arith.constant 0 : i32
    %dma_wait3A_28 = tpu.memref_slice %arg5[%dma_wait3A_26, %dma_wait3A_27] : memref<100000x32xf32, #tpu.memory_space<hbm>> -> memref<64x32xf32, #tpu.memory_space<hbm>>
    %dma_wait3A_29 = arith.constant 448 : i32
    %dma_wait3A_30 = arith.constant 0 : i32
    %dma_wait3A_31 = tpu.memref_slice %arg9[%dma_wait3A_29, %dma_wait3A_30] : memref<512x32xf32, #tpu.memory_space<vmem>> -> memref<64x32xf32, #tpu.memory_space<vmem>>
    %dma_wait3A_32 = arith.constant 0 : i32
    %dma_wait3A_33 = arith.constant 0 : i32
    %dma_wait3A_34 = tpu.memref_slice %arg5[%dma_wait3A_32, %dma_wait3A_33] : memref<100000x32xf32, #tpu.memory_space<hbm>> -> memref<64x32xf32, #tpu.memory_space<hbm>>
    tpu.wait_dma2 semaphore(%arg10 : memref<!tpu.dma_semaphore, #tpu.memory_space<semaphore_mem>>) src(%dma_wait3A_34 : memref<64x32xf32, #tpu.memory_space<hbm>>) dst(%dma_wait3A_31 : memref<64x32xf32, #tpu.memory_space<vmem>>)
    "tpu.region"() ({
      %run_scoped3A = tpu.sem_alloc : memref<!tpu.dma_semaphore, #tpu.memory_space<semaphore_mem>>
      %dma_start3A = arith.constant 0 : i32
      %dma_start3A_35 = tpu.memref_slice %arg7[%mul3A_2, %dma_start3A] : memref<16384x32xf32, #tpu.memory_space<hbm>> -> memref<512x32xf32, #tpu.memory_space<hbm>>
      %dma_start3A_36 = arith.constant 0 : i32
      %dma_start3A_37 = tpu.memref_slice %arg7[%mul3A_2, %dma_start3A_36] : memref<16384x32xf32, #tpu.memory_space<hbm>> -> memref<512x32xf32, #tpu.memory_space<hbm>>
      tpu.enqueue_dma source(%arg9 : memref<512x32xf32, #tpu.memory_space<vmem>>) target(%dma_start3A_37 : memref<512x32xf32, #tpu.memory_space<hbm>>) target_semaphore(%run_scoped3A : memref<!tpu.dma_semaphore, #tpu.memory_space<semaphore_mem>>)
      %dma_wait3A_38 = arith.constant 0 : i32
      %dma_wait3A_39 = tpu.memref_slice %arg7[%mul3A_2, %dma_wait3A_38] : memref<16384x32xf32, #tpu.memory_space<hbm>> -> memref<512x32xf32, #tpu.memory_space<hbm>>
      %dma_wait3A_40 = arith.constant 0 : i32
      %dma_wait3A_41 = tpu.memref_slice %arg7[%mul3A_2, %dma_wait3A_40] : memref<16384x32xf32, #tpu.memory_space<hbm>> -> memref<512x32xf32, #tpu.memory_space<hbm>>
      tpu.wait_dma2 semaphore(%run_scoped3A : memref<!tpu.dma_semaphore, #tpu.memory_space<semaphore_mem>>) src(%arg9 : memref<512x32xf32, #tpu.memory_space<vmem>>) dst(%dma_wait3A_41 : memref<512x32xf32, #tpu.memory_space<hbm>>)
      tpu.yield
    }) : () -> ()
    return
  }
}

module attributes {stable_mosaic.version = 14 : i64} {
  func.func @_tc_body(%arg0: i32, %arg1: memref<2048x34xf32, #tpu.memory_space<vmem>>, %arg2: memref<2048x20xf32, #tpu.memory_space<vmem>>, %arg3: memref<2048x1xf32, #tpu.memory_space<vmem>>, %arg4: memref<2048x32xf32, #tpu.memory_space<vmem>>, %arg5: memref<2048x32xf32, #tpu.memory_space<vmem>>, %arg6: memref<34x32xf32, #tpu.memory_space<vmem>>, %arg7: memref<1x32xf32, #tpu.memory_space<vmem>>, %arg8: memref<1x32xf32, #tpu.memory_space<vmem>>, %arg9: memref<32x256xf32, #tpu.memory_space<vmem>>, %arg10: memref<32x256xf32, #tpu.memory_space<vmem>>, %arg11: memref<20x256xf32, #tpu.memory_space<vmem>>, %arg12: memref<1x256xf32, #tpu.memory_space<vmem>>, %arg13: memref<1x256xf32, #tpu.memory_space<vmem>>, %arg14: memref<256x128xf32, #tpu.memory_space<vmem>>, %arg15: memref<1x128xf32, #tpu.memory_space<vmem>>, %arg16: memref<1x128xf32, #tpu.memory_space<vmem>>, %arg17: memref<1x1xf32, #tpu.memory_space<vmem>>, %arg18: memref<2048x1xf32, #tpu.memory_space<vmem>>) attributes {dimension_semantics = [#tpu.dimension_semantics<arbitrary>], iteration_bounds = array<i64: 8>, scalar_prefetch = 0 : i64, scratch_operands = 0 : i64, tpu.core_type = #tpu.core_type<tc>, window_params = [{transform_indices = @transform_0, window_bounds = array<i64: 2048, 34>}, {transform_indices = @transform_1, window_bounds = array<i64: 2048, 20>}, {transform_indices = @transform_2, window_bounds = array<i64: 2048, 1>}, {transform_indices = @transform_3, window_bounds = array<i64: 2048, 32>}, {transform_indices = @transform_4, window_bounds = array<i64: 2048, 32>}, {pipeline_mode = #tpu.pipeline_mode<synchronous>, transform_indices = @transform_5, window_bounds = array<i64: 34, 32>}, {pipeline_mode = #tpu.pipeline_mode<synchronous>, transform_indices = @transform_6, window_bounds = array<i64: 1, 32>}, {pipeline_mode = #tpu.pipeline_mode<synchronous>, transform_indices = @transform_7, window_bounds = array<i64: 1, 32>}, {pipeline_mode = #tpu.pipeline_mode<synchronous>, transform_indices = @transform_8, window_bounds = array<i64: 32, 256>}, {pipeline_mode = #tpu.pipeline_mode<synchronous>, transform_indices = @transform_9, window_bounds = array<i64: 32, 256>}, {pipeline_mode = #tpu.pipeline_mode<synchronous>, transform_indices = @transform_10, window_bounds = array<i64: 20, 256>}, {pipeline_mode = #tpu.pipeline_mode<synchronous>, transform_indices = @transform_11, window_bounds = array<i64: 1, 256>}, {pipeline_mode = #tpu.pipeline_mode<synchronous>, transform_indices = @transform_12, window_bounds = array<i64: 1, 256>}, {pipeline_mode = #tpu.pipeline_mode<synchronous>, transform_indices = @transform_13, window_bounds = array<i64: 256, 128>}, {pipeline_mode = #tpu.pipeline_mode<synchronous>, transform_indices = @transform_14, window_bounds = array<i64: 1, 128>}, {pipeline_mode = #tpu.pipeline_mode<synchronous>, transform_indices = @transform_15, window_bounds = array<i64: 1, 128>}, {pipeline_mode = #tpu.pipeline_mode<synchronous>, transform_indices = @transform_16, window_bounds = array<i64: 1, 1>}, {transform_indices = @transform_17, window_bounds = array<i64: 2048, 1>}]} {
    %get3A = arith.constant 0 : index
    %get3A_0 = arith.constant 0 : index
    %get3A_1 = vector.load %arg1[%get3A, %get3A_0] : memref<2048x34xf32, #tpu.memory_space<vmem>>, vector<2048x34xf32>
    %get3A_2 = arith.constant 0 : index
    %get3A_3 = arith.constant 0 : index
    %get3A_4 = vector.load %arg6[%get3A_2, %get3A_3] : memref<34x32xf32, #tpu.memory_space<vmem>>, vector<34x32xf32>
    %dot_general3A = arith.constant dense<0.000000e+00> : vector<2048x32xf32>
    %dot_general3A_5 = tpu.matmul %get3A_1, %get3A_4, %dot_general3A {dimension_numbers = #tpu.dot_dimension_numbers<[1], [0], [0], [1], [0, 0, 1, 1], [], []>, transpose_lhs_hint = false} : vector<2048x34xf32>, vector<34x32xf32>, vector<2048x32xf32> -> vector<2048x32xf32>
    %get3A_6 = arith.constant 0 : index
    %get3A_7 = arith.constant 0 : index
    %get3A_8 = vector.load %arg7[%get3A_6, %get3A_7] : memref<1x32xf32, #tpu.memory_space<vmem>>, vector<1x32xf32>
    %add3A = vector.broadcast %get3A_8 : vector<1x32xf32> to vector<2048x32xf32>
    %add3A_9 = arith.addf %dot_general3A_5, %add3A : vector<2048x32xf32>
    %max3A = arith.constant 0.000000e+00 : f32
    %max3A_10 = vector.broadcast %max3A : f32 to vector<2048x32xf32>
    %max3A_11 = arith.maximumf %add3A_9, %max3A_10 : vector<2048x32xf32>
    %get3A_12 = arith.constant 0 : index
    %get3A_13 = arith.constant 0 : index
    %get3A_14 = vector.load %arg8[%get3A_12, %get3A_13] : memref<1x32xf32, #tpu.memory_space<vmem>>, vector<1x32xf32>
    %mul3A = vector.broadcast %get3A_14 : vector<1x32xf32> to vector<2048x32xf32>
    %mul3A_15 = arith.mulf %max3A_11, %mul3A : vector<2048x32xf32>
    %reduce_sum3A = arith.constant dense<0.000000e+00> : vector<2048xf32>
    %reduce_sum3A_16 = vector.multi_reduction <add>, %mul3A_15, %reduce_sum3A [1] : vector<2048x32xf32> to vector<2048xf32>
    %broadcast_in_dim3A = vector.shape_cast %reduce_sum3A_16 : vector<2048xf32> to vector<2048x1xf32>
    %get3A_17 = arith.constant 0 : index
    %get3A_18 = arith.constant 0 : index
    %get3A_19 = vector.load %arg4[%get3A_17, %get3A_18] : memref<2048x32xf32, #tpu.memory_space<vmem>>, vector<2048x32xf32>
    %get3A_20 = arith.constant 0 : index
    %get3A_21 = arith.constant 0 : index
    %get3A_22 = vector.load %arg9[%get3A_20, %get3A_21] : memref<32x256xf32, #tpu.memory_space<vmem>>, vector<32x256xf32>
    %dot_general3A_23 = arith.constant dense<0.000000e+00> : vector<2048x256xf32>
    %dot_general3A_24 = tpu.matmul %get3A_19, %get3A_22, %dot_general3A_23 {dimension_numbers = #tpu.dot_dimension_numbers<[1], [0], [0], [1], [0, 0, 1, 1], [], []>, transpose_lhs_hint = false} : vector<2048x32xf32>, vector<32x256xf32>, vector<2048x256xf32> -> vector<2048x256xf32>
    %get3A_25 = arith.constant 0 : index
    %get3A_26 = arith.constant 0 : index
    %get3A_27 = vector.load %arg5[%get3A_25, %get3A_26] : memref<2048x32xf32, #tpu.memory_space<vmem>>, vector<2048x32xf32>
    %get3A_28 = arith.constant 0 : index
    %get3A_29 = arith.constant 0 : index
    %get3A_30 = vector.load %arg10[%get3A_28, %get3A_29] : memref<32x256xf32, #tpu.memory_space<vmem>>, vector<32x256xf32>
    %dot_general3A_31 = arith.constant dense<0.000000e+00> : vector<2048x256xf32>
    %dot_general3A_32 = tpu.matmul %get3A_27, %get3A_30, %dot_general3A_31 {dimension_numbers = #tpu.dot_dimension_numbers<[1], [0], [0], [1], [0, 0, 1, 1], [], []>, transpose_lhs_hint = false} : vector<2048x32xf32>, vector<32x256xf32>, vector<2048x256xf32> -> vector<2048x256xf32>
    %add3A_33 = arith.addf %dot_general3A_24, %dot_general3A_32 : vector<2048x256xf32>
    %get3A_34 = arith.constant 0 : index
    %get3A_35 = arith.constant 0 : index
    %get3A_36 = vector.load %arg2[%get3A_34, %get3A_35] : memref<2048x20xf32, #tpu.memory_space<vmem>>, vector<2048x20xf32>
    %get3A_37 = arith.constant 0 : index
    %get3A_38 = arith.constant 0 : index
    %get3A_39 = vector.load %arg11[%get3A_37, %get3A_38] : memref<20x256xf32, #tpu.memory_space<vmem>>, vector<20x256xf32>
    %dot_general3A_40 = arith.constant dense<0.000000e+00> : vector<2048x256xf32>
    %dot_general3A_41 = tpu.matmul %get3A_36, %get3A_39, %dot_general3A_40 {dimension_numbers = #tpu.dot_dimension_numbers<[1], [0], [0], [1], [0, 0, 1, 1], [], []>, transpose_lhs_hint = false} : vector<2048x20xf32>, vector<20x256xf32>, vector<2048x256xf32> -> vector<2048x256xf32>
    %add3A_42 = arith.addf %add3A_33, %dot_general3A_41 : vector<2048x256xf32>
    %get3A_43 = arith.constant 0 : index
    %get3A_44 = arith.constant 0 : index
    %get3A_45 = vector.load %arg3[%get3A_43, %get3A_44] : memref<2048x1xf32, #tpu.memory_space<vmem>>, vector<2048x1xf32>
    %get3A_46 = arith.constant 0 : index
    %get3A_47 = arith.constant 0 : index
    %get3A_48 = vector.load %arg12[%get3A_46, %get3A_47] : memref<1x256xf32, #tpu.memory_space<vmem>>, vector<1x256xf32>
    %mul3A_49 = vector.broadcast %get3A_45 : vector<2048x1xf32> to vector<2048x256xf32>
    %mul3A_50 = vector.broadcast %get3A_48 : vector<1x256xf32> to vector<2048x256xf32>
    %mul3A_51 = arith.mulf %mul3A_49, %mul3A_50 : vector<2048x256xf32>
    %add3A_52 = arith.addf %add3A_42, %mul3A_51 : vector<2048x256xf32>
    %get3A_53 = arith.constant 0 : index
    %get3A_54 = arith.constant 0 : index
    %get3A_55 = vector.load %arg13[%get3A_53, %get3A_54] : memref<1x256xf32, #tpu.memory_space<vmem>>, vector<1x256xf32>
    %add3A_56 = vector.broadcast %get3A_55 : vector<1x256xf32> to vector<2048x256xf32>
    %add3A_57 = arith.addf %add3A_52, %add3A_56 : vector<2048x256xf32>
    %max3A_58 = arith.constant 0.000000e+00 : f32
    %max3A_59 = vector.broadcast %max3A_58 : f32 to vector<2048x256xf32>
    %max3A_60 = arith.maximumf %add3A_57, %max3A_59 : vector<2048x256xf32>
    %get3A_61 = arith.constant 0 : index
    %get3A_62 = arith.constant 0 : index
    %get3A_63 = vector.load %arg14[%get3A_61, %get3A_62] : memref<256x128xf32, #tpu.memory_space<vmem>>, vector<256x128xf32>
    %dot_general3A_64 = arith.constant dense<0.000000e+00> : vector<2048x128xf32>
    %dot_general3A_65 = tpu.matmul %max3A_60, %get3A_63, %dot_general3A_64 {dimension_numbers = #tpu.dot_dimension_numbers<[1], [0], [0], [1], [0, 0, 1, 1], [], []>, transpose_lhs_hint = false} : vector<2048x256xf32>, vector<256x128xf32>, vector<2048x128xf32> -> vector<2048x128xf32>
    %get3A_66 = arith.constant 0 : index
    %get3A_67 = arith.constant 0 : index
    %get3A_68 = vector.load %arg15[%get3A_66, %get3A_67] : memref<1x128xf32, #tpu.memory_space<vmem>>, vector<1x128xf32>
    %add3A_69 = vector.broadcast %get3A_68 : vector<1x128xf32> to vector<2048x128xf32>
    %add3A_70 = arith.addf %dot_general3A_65, %add3A_69 : vector<2048x128xf32>
    %max3A_71 = arith.constant 0.000000e+00 : f32
    %max3A_72 = vector.broadcast %max3A_71 : f32 to vector<2048x128xf32>
    %max3A_73 = arith.maximumf %add3A_70, %max3A_72 : vector<2048x128xf32>
    %get3A_74 = arith.constant 0 : index
    %get3A_75 = arith.constant 0 : index
    %get3A_76 = vector.load %arg16[%get3A_74, %get3A_75] : memref<1x128xf32, #tpu.memory_space<vmem>>, vector<1x128xf32>
    %mul3A_77 = vector.broadcast %get3A_76 : vector<1x128xf32> to vector<2048x128xf32>
    %mul3A_78 = arith.mulf %max3A_73, %mul3A_77 : vector<2048x128xf32>
    %reduce_sum3A_79 = arith.constant dense<0.000000e+00> : vector<2048xf32>
    %reduce_sum3A_80 = vector.multi_reduction <add>, %mul3A_78, %reduce_sum3A_79 [1] : vector<2048x128xf32> to vector<2048xf32>
    %broadcast_in_dim3A_81 = vector.shape_cast %reduce_sum3A_80 : vector<2048xf32> to vector<2048x1xf32>
    %add3A_82 = arith.addf %broadcast_in_dim3A, %broadcast_in_dim3A_81 : vector<2048x1xf32>
    %get3A_83 = arith.constant 0 : index
    %get3A_84 = arith.constant 0 : index
    %get3A_85 = vector.load %arg17[%get3A_83, %get3A_84] : memref<1x1xf32, #tpu.memory_space<vmem>>, vector<1x1xf32>
    %add3A_86 = vector.broadcast %get3A_85 : vector<1x1xf32> to vector<2048x1xf32>
    %add3A_87 = arith.addf %add3A_82, %add3A_86 : vector<2048x1xf32>
    %swap3A = arith.constant 0 : index
    %swap3A_88 = arith.constant 0 : index
    %swap3A_89 = vector.load %arg18[%swap3A, %swap3A_88] : memref<2048x1xf32, #tpu.memory_space<vmem>>, vector<2048x1xf32>
    tpu.vector_store %arg18[%swap3A, %swap3A_88], %add3A_87 {strides = array<i32>} : memref<2048x1xf32, #tpu.memory_space<vmem>>, vector<2048x1xf32>,
    return
  }
  func.func @transform_0(%arg0: i32) -> (i32, i32) {
    %c0_i32 = arith.constant 0 : i32
    %c0_i32_0 = arith.constant 0 : i32
    return %arg0, %c0_i32 : i32, i32
  }
  func.func @transform_1(%arg0: i32) -> (i32, i32) {
    %c0_i32 = arith.constant 0 : i32
    %c0_i32_0 = arith.constant 0 : i32
    return %arg0, %c0_i32 : i32, i32
  }
  func.func @transform_2(%arg0: i32) -> (i32, i32) {
    %c0_i32 = arith.constant 0 : i32
    %c0_i32_0 = arith.constant 0 : i32
    return %arg0, %c0_i32 : i32, i32
  }
  func.func @transform_3(%arg0: i32) -> (i32, i32) {
    %c0_i32 = arith.constant 0 : i32
    %c0_i32_0 = arith.constant 0 : i32
    return %arg0, %c0_i32 : i32, i32
  }
  func.func @transform_4(%arg0: i32) -> (i32, i32) {
    %c0_i32 = arith.constant 0 : i32
    %c0_i32_0 = arith.constant 0 : i32
    return %arg0, %c0_i32 : i32, i32
  }
  func.func @transform_5(%arg0: i32) -> (i32, i32) {
    %c0_i32 = arith.constant 0 : i32
    %c0_i32_0 = arith.constant 0 : i32
    %c0_i32_1 = arith.constant 0 : i32
    return %c0_i32, %c0_i32_0 : i32, i32
  }
  func.func @transform_6(%arg0: i32) -> (i32, i32) {
    %c0_i32 = arith.constant 0 : i32
    %c0_i32_0 = arith.constant 0 : i32
    %c0_i32_1 = arith.constant 0 : i32
    return %c0_i32, %c0_i32_0 : i32, i32
  }
  func.func @transform_7(%arg0: i32) -> (i32, i32) {
    %c0_i32 = arith.constant 0 : i32
    %c0_i32_0 = arith.constant 0 : i32
    %c0_i32_1 = arith.constant 0 : i32
    return %c0_i32, %c0_i32_0 : i32, i32
  }
  func.func @transform_8(%arg0: i32) -> (i32, i32) {
    %c0_i32 = arith.constant 0 : i32
    %c0_i32_0 = arith.constant 0 : i32
    %c0_i32_1 = arith.constant 0 : i32
    return %c0_i32, %c0_i32_0 : i32, i32
  }
  func.func @transform_9(%arg0: i32) -> (i32, i32) {
    %c0_i32 = arith.constant 0 : i32
    %c0_i32_0 = arith.constant 0 : i32
    %c0_i32_1 = arith.constant 0 : i32
    return %c0_i32, %c0_i32_0 : i32, i32
  }
  func.func @transform_10(%arg0: i32) -> (i32, i32) {
    %c0_i32 = arith.constant 0 : i32
    %c0_i32_0 = arith.constant 0 : i32
    %c0_i32_1 = arith.constant 0 : i32
    return %c0_i32, %c0_i32_0 : i32, i32
  }
  func.func @transform_11(%arg0: i32) -> (i32, i32) {
    %c0_i32 = arith.constant 0 : i32
    %c0_i32_0 = arith.constant 0 : i32
    %c0_i32_1 = arith.constant 0 : i32
    return %c0_i32, %c0_i32_0 : i32, i32
  }
  func.func @transform_12(%arg0: i32) -> (i32, i32) {
    %c0_i32 = arith.constant 0 : i32
    %c0_i32_0 = arith.constant 0 : i32
    %c0_i32_1 = arith.constant 0 : i32
    return %c0_i32, %c0_i32_0 : i32, i32
  }
  func.func @transform_13(%arg0: i32) -> (i32, i32) {
    %c0_i32 = arith.constant 0 : i32
    %c0_i32_0 = arith.constant 0 : i32
    %c0_i32_1 = arith.constant 0 : i32
    return %c0_i32, %c0_i32_0 : i32, i32
  }
  func.func @transform_14(%arg0: i32) -> (i32, i32) {
    %c0_i32 = arith.constant 0 : i32
    %c0_i32_0 = arith.constant 0 : i32
    %c0_i32_1 = arith.constant 0 : i32
    return %c0_i32, %c0_i32_0 : i32, i32
  }
  func.func @transform_15(%arg0: i32) -> (i32, i32) {
    %c0_i32 = arith.constant 0 : i32
    %c0_i32_0 = arith.constant 0 : i32
    %c0_i32_1 = arith.constant 0 : i32
    return %c0_i32, %c0_i32_0 : i32, i32
  }
  func.func @transform_16(%arg0: i32) -> (i32, i32) {
    %c0_i32 = arith.constant 0 : i32
    %c0_i32_0 = arith.constant 0 : i32
    %c0_i32_1 = arith.constant 0 : i32
    return %c0_i32, %c0_i32_0 : i32, i32
  }
  func.func @transform_17(%arg0: i32) -> (i32, i32) {
    %c0_i32 = arith.constant 0 : i32
    %c0_i32_0 = arith.constant 0 : i32
    return %arg0, %c0_i32 : i32, i32
  }
}

</mosaic_0001>

<sc_bundles>
// kernel: kernel.4.cloned.1.call-start
scs
__scs_entry_jumppad:
0x0: {  	(pc) =	sbr.rel $0x88, $3  }
0x1: {  	(tag) =	ssettag $0x0;
	lr =	simm.s32 $0x1  }
0x2: {  	[smem:$0x3F89] =	sst lr;
	_ =	strace $0xD0000000  }
0x3: {  	_ = 	snop  }
0x4: {  	_ = 	snop  }
0x5: {  	_ = 	snop  }
0x6: {  	_ = 	snop  }
0x7: {  	_ = 	snop  }
__scs_overlays_trampoline_lowered:
0x8: {  	[smem:$0x3F98] =	sst s0  }
0x9: {  	[smem:$0x3F99] =	sst s1  }
0xa: {  	[smem:$0x3F9A] =	sst s2  }
0xb: {  	[smem:$0x3F9B] =	sst s3  }
0xc: {  	[smem:$0x3F9C] =	sst s4  }
0xd: {  	[smem:$0x3F9D] =	sst s5  }
0xe: {  	[smem:$0x3F9E] =	sst s6  }
0xf: {  	[smem:$0x3F9F] =	sst s7  }
0x10: {  	[smem:$0x3FA0] =	sst s8  }
0x11: {  	[smem:$0x3FA1] =	sst s9;
	s0 =	simm.s32 @!p0 $0x0  }
0x12: {  	s1 =	sld [smem:$0x3F87];
	s0 =	simm.s32 @p0 $0x1  }
0x13: {  	[smem:$0x3FA2] =	sst s0;
	s0 =	simm.s32 @!p1 $0x0  }
0x14: {  	s2 =	sld [smem:$0x3F86];
	s0 =	simm.s32 @p1 $0x1  }
0x15: {  	[smem:$0x3FA3] =	sst s0;
	s0 =	simm.s32 @!p2 $0x0  }
0x16: {  	s3 =	sld [smem:$0x3FDB];
	s0 =	simm.s32 @p2 $0x1  }
0x17: {  	s4 =	simm.s32 $0x1BF5;
	[smem:$0x3FA5] =	sst s0  }
0x18: {  	s0 =	sld [smem:$0x3F88];
	_ =	swait.ge [sflag:s4], $0x0  }
0x19: {  	s7 =	sld [smem:$0x3F89]  }
0x1a: {  	s8 =	sadd.s32 $0xFFFFE003, lr  }
0x1b: {  	s9 =	sadd.s32 $0xFFFFFEF7, lr;
	s5 =	simm.s32 $0xFFFFFFFF;
	p2 =	slt.u32 s8, $0xFFFFF086  }
0x1c: {  	p1 =	slt.u32 s9, $0xF7A;
	s5 =	simm.s32 @!p2 $0x0  }
0x1d: {  	s5 =	simm.s32 @p1 $0x1;
	p0 =	seq.s32 s7, s2  }
0x1e: {  	s7 =	smul.u32 @!p0 $0xF7A, s2;
	p2 =	seq.s32 @!p0 s5, $0x0  }
0x1f: {  	s9 =	smul.u32 $0xF7A, s1;
	s8 =	simm.s32 @!p0 $0x1BF5;
	p2 =	por !p2, p0  }
0x20: {  	[sflag:s8] =	ssyncset.s32 @!p0 $0xFFFFF086;
	s6 =	sadd.s32 @!p0 s3, s7;
	s7 =	simm.s32 @!p0 $0x108  }
0x21: {  	s3 =	sadd.s32 s3, s9;
	s6 =	sadd.s32 @!p0 $0x88, s6;
	s7 =	simm.s32 @p2 $0x1082  }
0x22: {  	[simem:s7], [sflag:s8] =	dma.local @!p0 [hbm:s6], $0xF7A  }
0x23: {  	s9 =	sor.u32 $0xD0000000, s2;
	s6 =	simm.s32 $0x108;
	_ =	swait.ge @!p0 [sflag:s8], $0x0  }
0x24: {  	s3 =	sadd.s32 $0x88, s3;
	s6 =	simm.s32 @!p1 $0x1082;
	[sflag:s4] =	ssyncset.s32 $0xFFFFF086  }
0x25: {  	[simem:s6], [sflag:s4] =	dma.local [hbm:s3], $0xF7A  }
0x26: {  	[smem:$0x3F89] =	sst s1;
	(tag) =	ssettag s2;
	_ =	strace s9  }
0x27: {  	s1 =	sld [smem:$0x3F99]  }
0x28: {  	s2 =	sld [smem:$0x3F9A]  }
0x29: {  	s4 =	sld [smem:$0x3F9C]  }
0x2a: {  	p0 =	seq.s32 s5, $0x0;
	s5 =	sld [smem:$0x3F9D]  }
0x2b: {  	s6 =	sld [smem:$0x3F9E]  }
0x2c: {  	s7 =	sld [smem:$0x3F9F]  }
0x2d: {  	s3 =	simm.s32 $0x108;
	s8 =	sld [smem:$0x3FA0]  }
0x2e: {  	s3 =	simm.s32 @!p0 $0x1082;
	s9 =	sld [smem:$0x3FA1]  }
0x2f: {  	lr =	sadd.s32 s0, s3;
	s0 =	sld [smem:$0x3F98]  }
0x30: {  	s3 =	sld [smem:$0x3F9B]  }
0x31: {  	[smem:$0x3FA4] =	sst s10  }
0x32: {  	s10 =	sld [smem:$0x3FA2];
	_ =	sdelay $0x3  }
0x33: {  	p0 =	seq.s32 s10, $0x1;
	s10 =	sld [smem:$0x3FA4];
	_ =	sdelay $0x3  }
0x34: {  	[smem:$0x3FA4] =	sst s10  }
0x35: {  	s10 =	sld [smem:$0x3FA3];
	_ =	sdelay $0x3  }
0x36: {  	p1 =	seq.s32 s10, $0x1;
	s10 =	sld [smem:$0x3FA4];
	_ =	sdelay $0x3  }
0x37: {  	[smem:$0x3FA4] =	sst s10  }
0x38: {  	s10 =	sld [smem:$0x3FA5]  }
0x39: {  	_ = 	snop;
	(pc) =	sbr.ind lr, $3  }
0x3a: {  	_ = 	snop  }
0x3b: {  	_ = 	snop  }
0x3c: {  	p2 =	seq.s32 s10, $0x1;
	s10 =	sld [smem:$0x3FA4]  }
0x3d: {  	_ =	shalt  }
0x3e: {  	_ =	shalt  }
0x3f: {  	_ =	shalt  }
0x40: {  	_ =	shalt  }
0x41: {  	_ =	shalt  }
0x42: {  	_ =	shalt  }
0x43: {  	_ =	shalt  }
0x44: {  	_ =	shalt  }
0x45: {  	_ =	shalt  }
0x46: {  	_ =	shalt  }
0x47: {  	_ =	shalt  }
0x48: {  	_ =	shalt  }
0x49: {  	_ =	shalt  }
0x4a: {  	_ =	shalt  }
0x4b: {  	_ =	shalt  }
0x4c: {  	_ =	shalt  }
0x4d: {  	_ =	shalt  }
0x4e: {  	_ =	shalt  }
0x4f: {  	_ =	shalt  }
0x50: {  	_ =	shalt  }
0x51: {  	_ =	shalt  }
0x52: {  	_ =	shalt  }
0x53: {  	_ =	shalt  }
0x54: {  	_ =	shalt  }
0x55: {  	_ =	shalt  }
0x56: {  	_ =	shalt  }
0x57: {  	_ =	shalt  }
0x58: {  	_ =	shalt  }
0x59: {  	_ =	shalt  }
0x5a: {  	_ =	shalt  }
0x5b: {  	_ =	shalt  }
0x5c: {  	_ =	shalt  }
0x5d: {  	_ =	shalt  }
0x5e: {  	_ =	shalt  }
0x5f: {  	_ =	shalt  }
0x60: {  	_ =	shalt  }
0x61: {  	_ =	shalt  }
0x62: {  	_ =	shalt  }
0x63: {  	_ =	shalt  }
0x64: {  	_ =	shalt  }
0x65: {  	_ =	shalt  }
0x66: {  	_ =	shalt  }
0x67: {  	_ =	shalt  }
0x68: {  	_ =	shalt  }
0x69: {  	_ =	shalt  }
0x6a: {  	_ =	shalt  }
0x6b: {  	_ =	shalt  }
0x6c: {  	_ =	shalt  }
0x6d: {  	_ =	shalt  }
0x6e: {  	_ =	shalt  }
0x6f: {  	_ =	shalt  }
0x70: {  	_ =	shalt  }
0x71: {  	_ =	shalt  }
0x72: {  	_ =	shalt  }
0x73: {  	_ =	shalt  }
0x74: {  	_ =	shalt  }
0x75: {  	_ =	shalt  }
0x76: {  	_ =	shalt  }
0x77: {  	_ =	shalt  }
0x78: {  	_ =	shalt  }
0x79: {  	_ =	shalt  }
0x7a: {  	_ =	shalt  }
0x7b: {  	_ =	shalt  }
0x7c: {  	_ =	shalt  }
0x7d: {  	_ =	shalt  }
0x7e: {  	_ =	shalt  }
0x7f: {  	_ =	shalt  }
0x80: {  	_ =	shalt  }
0x81: {  	_ =	shalt  }
0x82: {  	_ =	shalt  }
0x83: {  	_ =	shalt  }
0x84: {  	_ =	shalt  }
0x85: {  	_ =	shalt  }
0x86: {  	_ =	shalt  }
0x87: {  	_ =	shalt  }
.Lfunc_end0:
.L_simem_size_0:
called_computation_lowered:
.L_overlay_start_0:
0x88: {  	s2 =	sld [smem:$0x3FD9]  }
0x89: {  	s3 =	sld [smem:$0x3FFE];
	_ =	sdelay $0x1  }
0x8a: {  	s1 =	srdreg.scid  }
0x8b: {  	s0 =	sand.u32 $0x1, s1  }
0x8c: {  	s17 =	sshll.u32 s0, $0xA;
	s2 =	sadd.s32 s3, s2  }
0x8d: {  	s2 =	sadd.s32 s2, s17  }
0x8e: {  	[smem:$0x3FB0] =	sst s2  }
0x8f: {  	_ = 	snop  }
0x90: {  	s2 =	sld [smem:$0x3FC9]  }
0x91: {  	s18 =	sld [smem:$0x3FC8];
	(tm) =	ssettm $0x1  }
0x92: {  	s4 =	sld [smem:$0x3FFB];
	_ =	sdelay $0x3  }
0x93: {  	_ =	strace s4  }
0x94: {  	s4 =	sld [smem:$0x3FFC];
	_ =	sdelay $0x3  }
0x95: {  	_ =	strace s4  }
0x96: {  	s4 =	sld [smem:$0x3FFD];
	_ =	sdelay $0x3  }
0x97: {  	_ =	strace s4  }
0x98: {  	_ =	strace $0x8FFFFFFF  }
0x99: {  	s19 =	sld [smem:$0x3FDB];
	_ =	sdelay $0x1  }
0x9a: {  	s5 =	simm.s32 $_scs_section_size  }
0x9b: {  	s6 =	simm.s32 $_size__tile_overlayer_lowered;
	s7 =	simm.s32 $_tile_overlayer_lowered  }
0x9c: {  	s22 =	simm.s32 $0x1BFF;
	s21 =	sshll.u32 s7, $0x1;
	s4 =	sadd.s32 s5, s19  }
0x9d: {  	s8 =	simm.s32 $0x0;
	s20 =	sshll.u32 s6, $0x1;
	s6 =	sadd.s32 s21, s4  }
0x9e: {  	[timem:s8], [sflag:s22] =	dma.local [hbm:s6], s20  }
0x9f: {  	_ =	swait.ge [sflag:s22], s20  }
0xa0: {  	s5 =	ssub.s32 $0x0, s20;
	[sflag:s22] =	ssyncset.done $0x0  }
0xa1: {  	[sflag:s22] =	ssyncadd.s32 s5;
	_ =	sdelay $0x1  }
0xa2: {  	s23 =	simm.s32 $0x1B8B  }
0xa3: {  	_ =	swait.ge [sflag:s23], $0x1  }
0xa4: {  	[sflag:s23] =	ssyncset.done $0x0  }
0xa5: {  	s25 =	simm.s32 $0x1B8E;
	s24 =	sld [smem:$0x3FFE];
	[sflag:s23] =	ssyncadd.s32 $0xFFFFFFFF  }
0xa6: {  	s26 =	simm.s32 $execute0_lowered;
	[smem:$0x3FD2] =	sst s25  }
0xa7: {  	s6 =	sshll.u32 s26, $0x1;
	_ =	strace $0x80000046;
	[dreg:$0x1] =	wrdreg $0xFFFFFFFF  }
0xa8: {  	s28 =	simm.s32 $_size_execute0_lowered;
	s4 =	sadd.s32 s4, s6;
	[dreg:$0x0] =	wrdreg $0x0  }
0xa9: {  	s6 =	sshll.u32 s28, $0x1;
	[dreg:$0x2] =	wrdreg s4  }
0xaa: {  	[dreg:$0x3] =	wrdreg s6  }
0xab: {  	[dreg:$0x4] =	wrdreg $0xC0  }
0xac: {  	_ =	task [dreg:s8], $0x5FFFF  }
0xad: {  	[dreg:$0x1] =	wrdreg $0xFFFFFFFF  }
0xae: {  	[dreg:$0x0] =	wrdreg $0x60  }
0xaf: {  	[dreg:$0x2] =	wrdreg s2  }
0xb0: {  	[dreg:$0x3] =	wrdreg s18  }
0xb1: {  	[dreg:$0x4] =	wrdreg s24  }
0xb2: {  	[dreg:$0x5] =	wrdreg $0x9  }
0xb3: {  	_ =	task.clear_ibuf [dreg:s8], $0x6FFFF;
	_ =	strace $0x90000046  }
0xb4: {  	s29 =	simm.s32 $0x9;
	_ =	strace $0x80000048  }
0xb5: {  	_ =	swait.ge [sflag:s29], $0x1  }
0xb6: {  	[sflag:s29] =	ssyncadd.s32 $0xFFFFFFFF  }
0xb7: {  	_ =	strace $0x90000048  }
0xb8: {  	_ =	sfence  }
0xb9: {  	s30 =	sld [smem:$0x0];
	_ =	sdelay $0x2  }
0xba: {  	s31 =	sshll.u32 s1, $0xD;
	s1 =	sshrl.u32 s1, $0x2  }
0xbb: {  	s3 =	sand.u32 $0x4000, s31;
	s1 =	sadd.s32 s1, s30  }
0xbc: {  	s0 =	sor.u32 s3, s0;
	s1 =	sshll.u32 s1, $0x11  }
0xbd: {  	s0 =	sor.u32 s1, s0  }
0xbe: {  	s0 =	sadd.s32 $0x8F2B, s0  }
0xbf: {  	[sflag:s0] =	ssyncadd.remote.s32 $0x1  }
0xc0: {  	_ =	sfence.sel $0xFFFF  }
0xc1: {  	[dreg:$0x0] =	wrdreg $0xFFFFFFFF;
	(pc) =	sbr.abs _section_cstart, $3  }
0xc2: {  	[dreg:$0x1] =	wrdreg $0xFFFFFFFF  }
0xc3: {  	_ =	task.clear_ibuf [dreg:s8], $0x2FFFF;
	_ =	strace $0x9FFFFFFF  }
0xc4: {  	(tm) =	ssettm $0x7FFFFFFF  }
0xc5: {  	_ =	shalt  }
tec
execute0_lowered:
.L_overlay_start_1:
0x0: {  	(tag) =	ssettag $0x1  }
0x1: {  	s5 =	rddreg [dreg:$0x0]  }
0x2: {  	s7 =	rddreg [dreg:$0x1]  }
0x3: {  	s6 =	rddreg [dreg:$0x2]  }
0x4: {  	s0 =	rddreg [dreg:$0x3];
	s2 =	simm.s32 $0x0;
	s3 =	srdreg.scid  }
0x5: {  	s1 =	stileid.u32;
	s12 =	simm.s32 $0x200;
	s13 =	simm.s32 $0x0  }
0x6: {  	[smem:$0x7FF] =	sst s2;
	s4 =	sand.u32 $0x1, s3;
	s8 =	sshll.u32 s1, $0xA  }
0x7: {  	s3 =	sadd.s32 $0x3000, s6;
	s9 =	sshll.u32 s4, $0x9;
	s31 =	ssub.s32 $0x2, s4  }
0x8: {  	_ =	strace $0x80000047;
	s8 =	sor.u32 s9, s8;
	s11 =	sshrl.u32 s31, $0x1  }
0x9: {  	s4 =	sadd.s32 $0x189A00, s6;
	s10 =	sshll.u32 s8, $0x4;
	s9 =	ssub.s32 s31, s11  }
0xa: {  	s8 =	sshrl.u32 s8, $0x3;
	s11 =	simm.s32 $0x1;
	s10 =	sadd.s32 s10, s6  }
0xb: {  	s5 =	sadd.s32 s5, s8;
	s7 =	sadd.s32 s7, s8;
	s9 =	smax.u32 s9, $0x1  }
0xc: {  	s6 =	sadd.s32 $0x310400, s10;
	s8 =	sadd.s32 $0x350400, s10;
	s10 =	simm.s32 $0x2  }
.LBB2_1:
0xd: {  	[tilespmem:s2], [sflag:$0x2] =	stream.linear.gather [hbm4b:s5+s2], $0x200, $0x38;
	[tilespmem:$0x10200] =	vst v63  }
0xe: {  	_ =	swait.ge [sflag:s10], $0x200  }
0xf: {  	s14 =	simm.s32 $0x0;
	[sflag:s10] =	ssyncset.done $0x0  }
0x10: {  	s15 =	simm.s32 $0x200;
	s16 =	simm.s32 $0x0;
	[sflag:s10] =	ssyncadd.s32 $0xFFFFFE00  }
.LBB2_2:
0x11: {  	v0 =	vmov s14;
	_ =	sdelay $0x3  }
0x12: {  	s17 =	simm.s32 $0x0  }
0x13: {  	v1 =	vld.idx.msk [tilespmem:v0+s17+$0x0 ss:$0x1], $0x1;
	_ =	sdelay $0x4  }
0x14: {  	(v2sf) =	vpush v1, $0x0;
	_ =	sdelay $0xe  }
0x15: {  	s30 =	spop (v2sf)  }
0x16: {  	s17 =	sshll.u32 s30, $0x4  }
0x17: {  	s17 =	sand.u32 $0x1FFFFFF0, s17  }
0x18: {  	s31 =	simm.s32 $0x1;
	s17 =	sadd.s32 s3, s17  }
0x19: {  	[tilespmem:s15], [sflag:$0x1] =	stream.linear.gather [hbm4b:s17+s2], $0x80, $0x38;
	[tilespmem:$0x10200] =	vst v63  }
0x1a: {  	s18 =	simm.s32 $0x8;
	s17 =	smov.u32 s15;
	v1 =	vld.idx.msk [tilespmem:v0+s31+$0x0 ss:$0x1], $0x1  }
.LBB2_3:
0x1b: {  	p0 =	sne.s32 s18, $0xFC;
	_ =	sdelay $0x4  }
0x1c: {  	(v2sf) =	vpush v1, $0x0;
	_ =	sdelay $0xe  }
0x1d: {  	s19 =	spop (v2sf)  }
.Ltmp0:
0x1e: {  	s19 =	sshll.u32 s19, $0x4;
	(pc) =	sbr.rel @p0 .LBB2_3-.Ltmp0, $4  }
0x1f: {  	s19 =	sand.u32 $0x1FFFFFF0, s19  }
0x20: {  	s20 =	sshra.s32 s18, $0x2;
	s17 =	sadd.s32 $0x80, s17;
	s19 =	sadd.s32 s3, s19  }
0x21: {  	[tilespmem:s17], [sflag:$0x1] =	stream.linear.gather [hbm4b:s19+s2], $0x80, $0x38;
	[tilespmem:$0x10200] =	vst v63  }
0x22: {  	s18 =	sadd.s32 $0x4, s18;
	v1 =	vld.idx.msk [tilespmem:v0+s20+$0x0 ss:$0x1], $0x1  }
0x23: {  	_ =	sdelay $0x3  }
0x24: {  	(v2sf) =	vpush v1, $0x0;
	_ =	sdelay $0xe  }
0x25: {  	s18 =	spop (v2sf)  }
0x26: {  	s18 =	sshll.u32 s18, $0x4  }
0x27: {  	p0 =	seq.s32 s16, $0x0;
	s16 =	sadd.s32 $0x1, s16;
	s18 =	sand.u32 $0x1FFFFFF0, s18  }
0x28: {  	s17 =	sadd.s32 $0x80, s17;
	p1 =	sne.s32 s16, $0x8;
	s18 =	sadd.s32 s3, s18  }
0x29: {  	[tilespmem:s17], [sflag:$0x1] =	stream.linear.gather [hbm4b:s18+s2], $0x80, $0x38;
	[tilespmem:$0x10200] =	vst v63  }
.Ltmp1:
0x2a: {  	_ = 	snop;
	(pc) =	sbr.rel @p1 .LBB2_2-.Ltmp1, $4  }
0x2b: {  	s17 =	simm.s32 @!p0 $0x1  }
0x2c: {  	_ =	swait.ge @!p0 [sflag:s17], $0x2000  }
0x2d: {  	[sflag:s17] =	ssyncset.done @!p0 $0x0  }
0x2e: {  	s15 =	sadd.s32 $0x2000, s15;
	s14 =	sadd.s32 $0x40, s14;
	[sflag:s17] =	ssyncadd.s32 @!p0 $0xFFFFE000  }
0x2f: {  	_ =	swait.ge [sflag:s11], $0x2000  }
0x30: {  	[sflag:s11] =	ssyncset.done $0x0  }
0x31: {  	s14 =	simm.s32 $0x0;
	s15 =	simm.s32 $0x200;
	[sflag:s11] =	ssyncadd.s32 $0xFFFFE000  }
0x32: {  	[hbm4b:s6+s14] =	stream.linear.scatter [tilespmem:s15], [sflag:$0x2], $0x10000, $0x38;
	[tilespmem:$0x10200] =	vst v63  }
0x33: {  	_ =	swait.ge [sflag:s10], $0x10000  }
0x34: {  	[sflag:s10] =	ssyncset.done $0x0  }
0x35: {  	[sflag:s10] =	ssyncadd.s32 $0xFFFF0000  }
0x36: {  	[tilespmem:s14], [sflag:$0x2] =	stream.linear.gather [hbm4b:s7+s14], $0x200, $0x38;
	[tilespmem:$0x10200] =	vst v63  }
0x37: {  	_ =	swait.ge [sflag:s10], $0x200  }
0x38: {  	[sflag:s10] =	ssyncset.done $0x0  }
0x39: {  	s16 =	simm.s32 $0x0;
	[sflag:s10] =	ssyncadd.s32 $0xFFFFFE00  }
.LBB2_6:
0x3a: {  	v0 =	vmov s14;
	_ =	sdelay $0x3  }
0x3b: {  	s17 =	simm.s32 $0x0  }
0x3c: {  	v1 =	vld.idx.msk [tilespmem:v0+s17+$0x0 ss:$0x1], $0x1;
	_ =	sdelay $0x4  }
0x3d: {  	(v2sf) =	vpush v1, $0x0;
	_ =	sdelay $0xe  }
0x3e: {  	s30 =	spop (v2sf)  }
0x3f: {  	s17 =	sshll.u32 s30, $0x4  }
0x40: {  	s17 =	sand.u32 $0x1FFFFFF0, s17  }
0x41: {  	s31 =	simm.s32 $0x1;
	s17 =	sadd.s32 s4, s17  }
0x42: {  	[tilespmem:s15], [sflag:$0x1] =	stream.linear.gather [hbm4b:s17+s2], $0x80, $0x38;
	[tilespmem:$0x10200] =	vst v63  }
0x43: {  	s18 =	simm.s32 $0x8;
	s17 =	smov.u32 s15;
	v1 =	vld.idx.msk [tilespmem:v0+s31+$0x0 ss:$0x1], $0x1  }
.LBB2_7:
0x44: {  	p0 =	sne.s32 s18, $0xFC;
	_ =	sdelay $0x4  }
0x45: {  	(v2sf) =	vpush v1, $0x0;
	_ =	sdelay $0xe  }
0x46: {  	s19 =	spop (v2sf)  }
.Ltmp2:
0x47: {  	s19 =	sshll.u32 s19, $0x4;
	(pc) =	sbr.rel @p0 .LBB2_7-.Ltmp2, $4  }
0x48: {  	s19 =	sand.u32 $0x1FFFFFF0, s19  }
0x49: {  	s20 =	sshra.s32 s18, $0x2;
	s17 =	sadd.s32 $0x80, s17;
	s19 =	sadd.s32 s4, s19  }
0x4a: {  	[tilespmem:s17], [sflag:$0x1] =	stream.linear.gather [hbm4b:s19+s2], $0x80, $0x38;
	[tilespmem:$0x10200] =	vst v63  }
0x4b: {  	s18 =	sadd.s32 $0x4, s18;
	v1 =	vld.idx.msk [tilespmem:v0+s20+$0x0 ss:$0x1], $0x1  }
0x4c: {  	_ =	sdelay $0x3  }
0x4d: {  	(v2sf) =	vpush v1, $0x0;
	_ =	sdelay $0xe  }
0x4e: {  	s18 =	spop (v2sf)  }
0x4f: {  	s18 =	sshll.u32 s18, $0x4  }
0x50: {  	p0 =	seq.s32 s16, $0x0;
	s16 =	sadd.s32 $0x1, s16;
	s18 =	sand.u32 $0x1FFFFFF0, s18  }
0x51: {  	s17 =	sadd.s32 $0x80, s17;
	p1 =	sne.s32 s16, $0x8;
	s18 =	sadd.s32 s4, s18  }
0x52: {  	[tilespmem:s17], [sflag:$0x1] =	stream.linear.gather [hbm4b:s18+s2], $0x80, $0x38;
	[tilespmem:$0x10200] =	vst v63  }
.Ltmp3:
0x53: {  	_ = 	snop;
	(pc) =	sbr.rel @p1 .LBB2_6-.Ltmp3, $4  }
0x54: {  	s17 =	simm.s32 @!p0 $0x1  }
0x55: {  	_ =	swait.ge @!p0 [sflag:s17], $0x2000  }
0x56: {  	[sflag:s17] =	ssyncset.done @!p0 $0x0  }
0x57: {  	s15 =	sadd.s32 $0x2000, s15;
	s14 =	sadd.s32 $0x40, s14;
	[sflag:s17] =	ssyncadd.s32 @!p0 $0xFFFFE000  }
0x58: {  	_ =	swait.ge [sflag:s11], $0x2000;
	s13 =	sadd.s32 $0x1, s13  }
0x59: {  	[sflag:s11] =	ssyncset.done $0x0;
	p0 =	sne.s32 s13, s9  }
.Ltmp4:
0x5a: {  	[sflag:s11] =	ssyncadd.s32 $0xFFFFE000;
	(pc) =	sbr.rel @p0 .LBB2_1-.Ltmp4, $4  }
0x5b: {  	[hbm4b:s8+s2] =	stream.linear.scatter [tilespmem:s12], [sflag:$0x2], $0x10000, $0x38;
	[tilespmem:$0x10200] =	vst v63  }
0x5c: {  	_ =	swait.ge [sflag:s10], $0x10000  }
0x5d: {  	[sflag:s10] =	ssyncset.done $0x0  }
0x5e: {  	[sflag:s10] =	ssyncadd.s32 $0xFFFF0000  }
0x5f: {  	_ =	sfence.sel $0x180000  }
0x60: {  	[bflag:$0x0] =	sbarrier.arrive $0xFFFF  }
0x61: {  	p0 =	sne.s32 s1, $0x0;
	_ =	strace $0x90000047  }
0x62: {  	s0 =	sadd.s32 @!p0 $0x100000, s0;
	[bflag:$0x2] =	sbarrier.arrive $0xFFFF  }
0x63: {  	[sflag:s0] =	ssyncadd.tile.s32 @!p0 $0x1;
	_ =	shalt  }
.Lfunc_end2:
_tile_overlayer_lowered:
.L_overlay_start_2:
0x64: {  	(tag) =	ssettag $0x2  }
0x65: {  	s0 =	rddreg [dreg:$0x0];
	s2 =	stileid.u32  }
0x66: {  	s1 =	rddreg [dreg:$0x1];
	p0 =	sne.s32 s2, $0x0  }
0x67: {  	s3 =	rddreg [dreg:$0x2];
	[bflag:$0x3] =	sbarrier.arrive $0xFFFF;
	s2 =	simm.s32 @!p0 $0x1C02  }
0x68: {  	[timem:s3], [sflag:s2] =	dma.local @!p0 [hbm:s0], s1  }
0x69: {  	s0 =	simm.s32 @!p0 $0x2  }
0x6a: {  	_ =	swait.ge @!p0 [sflag:s0], s1  }
0x6b: {  	s1 =	ssub.s32 @!p0 $0x0, s1;
	[sflag:s0] =	ssyncset.done @!p0 $0x0  }
0x6c: {  	[sflag:s0] =	ssyncadd.s32 @!p0 s1  }
0x6d: {  	[bflag:$0x3] =	sbarrier.arrive $0xFFFF  }
0x6e: {  	_ =	shalt  }

</sc_bundles>
